<compile_context>
chip_gen: v7x
topology: tpu7x:2x2x1
jax: 0.10.2.dev20260603
libtpu: 0.0.44.dev20260713+nightly
codegen_flags: <defaults>
</compile_context>

<pallas_src>
import functools

import jax
import jax.numpy as jnp
from jax import lax
from jax.experimental import pallas as pl
from jax.experimental.pallas import tpu as pltpu
from jax.experimental.pallas import tpu_sc as plsc

D = 32
B = 16384 * 26
NC = 2
NS = 16
NW = NC * NS
B_PER_W = B // NW
N_CHUNK = 8
C = B_PER_W // N_CHUNK

_mesh = plsc.VectorSubcoreMesh(core_axis_name="c", subcore_axis_name="s")


@functools.partial(
    pl.kernel,
    mesh=_mesh,
    out_type=jax.ShapeDtypeStruct((B, D), jnp.float32),
    compiler_params=pltpu.CompilerParams(use_tc_tiling_on_sc=False),
    scratch_types=[
        pltpu.VMEM((B_PER_W,), jnp.int32),
        pltpu.VMEM((C, D), jnp.float32),
        pltpu.VMEM((C, D), jnp.float32),
        pltpu.SemaphoreType.DMA,
        pltpu.SemaphoreType.DMA,
        pltpu.SemaphoreType.DMA,
        pltpu.SemaphoreType.DMA,
    ],
)
def _emb_gather(x_hbm, table_hbm, out_hbm, idx_v, rows0, rows1,
                gsem0, gsem1, wsem0, wsem1):
    wid = lax.axis_index("s") * NC + lax.axis_index("c")
    base = wid * B_PER_W

    pltpu.sync_copy(x_hbm.at[pl.ds(base, B_PER_W)], idx_v)

    bufs = (rows0, rows1)
    gsems = (gsem0, gsem1)
    wsems = (wsem0, wsem1)

    gcp = [None] * N_CHUNK
    wcp = [None] * N_CHUNK
    for i in range(N_CHUNK):
        b = i % 2
        if i >= 2:
            wcp[i - 2].wait()
        gcp[i] = pltpu.async_copy(
            table_hbm.at[idx_v.at[pl.ds(i * C, C)]], bufs[b], gsems[b])
        if i >= 1:
            pb = (i - 1) % 2
            gcp[i - 1].wait()
            wcp[i - 1] = pltpu.async_copy(
                bufs[pb], out_hbm.at[pl.ds(base + (i - 1) * C, C)], wsems[pb])

    last = N_CHUNK - 1
    lb = last % 2
    gcp[last].wait()
    wcp[last] = pltpu.async_copy(
        bufs[lb], out_hbm.at[pl.ds(base + last * C, C)], wsems[lb])
    wcp[last - 1].wait()
    wcp[last].wait()


def kernel(x, embedding_tables):
    x_flat = x.reshape(-1).astype(jnp.int32)
    out = _emb_gather(x_flat, embedding_tables)
    return out.reshape(x.shape + (D,))

# --- scband reference (transcript-rebuilt; emitter-appended) ---
"""Pipeline reference for scband-own-emb-39384850105039 (READ-ONLY COPY).

The authoritative reference and input builder live on the scoring server;
editing this copy changes nothing except your own understanding.
"""

import jax, jax.numpy as jnp
import numpy as np

NUM_INPUT = 1000000
NUM_OUTPUT = 32
BATCH = 16384
FIELDS = 26

def setup_inputs(seed: int = 0) -> dict:
    key = jax.random.key(seed)
    k_idx, k_tab = jax.random.split(key)
    x = jax.random.randint(k_idx, (BATCH, FIELDS), 0, NUM_INPUT, dtype=jnp.int64) if jax.config.jax_enable_x64 else jax.random.randint(k_idx, (BATCH, FIELDS), 0, NUM_INPUT, dtype=jnp.int32)
    # glorot_normal init: stddev = sqrt(2 / (fan_in + fan_out))
    stddev = np.sqrt(2.0 / (NUM_INPUT + NUM_OUTPUT))
    embedding_tables = jax.random.normal(k_tab, (NUM_INPUT, NUM_OUTPUT), dtype=jnp.float32) * stddev
    return {"x": x, "embedding_tables": embedding_tables}

def reference(x, embedding_tables):
    # tf.gather(self.embedding_tables, x) -> gather rows along axis 0
    return jnp.take(embedding_tables, x, axis=0)

if __name__ == "__main__":
    import jax
    _d = setup_inputs()
    print(jax.jit(kernel)(*tuple(_d.values())))

</pallas_src>

<mosaic_0001>
#map = affine_map<(d0, d1) -> (0)>
#map1 = affine_map<(d0, d1) -> (0, 0)>
module attributes {stable_mosaic.version = 14 : i64} {
  func.func @_emb_gather(%arg0: i32, %arg1: i32, %arg2: memref<425984xi32, #tpu.memory_space<hbm>>, %arg3: memref<1000000x32xf32, #tpu.memory_space<hbm>>, %arg4: memref<425984x32xf32, #tpu.memory_space<hbm>>, %arg5: memref<13312xi32, #tpu.memory_space<vmem>>, %arg6: memref<1664x32xf32, #tpu.memory_space<vmem>>, %arg7: memref<1664x32xf32, #tpu.memory_space<vmem>>, %arg8: memref<!tpu.dma_semaphore, #tpu.memory_space<semaphore_mem>>, %arg9: memref<!tpu.dma_semaphore, #tpu.memory_space<semaphore_mem>>, %arg10: memref<!tpu.dma_semaphore, #tpu.memory_space<semaphore_mem>>, %arg11: memref<!tpu.dma_semaphore, #tpu.memory_space<semaphore_mem>>) attributes {dimension_semantics = [#tpu.dimension_semantics<core_parallel>, #tpu.dimension_semantics<subcore_parallel>], iteration_bounds = array<i64: 2, 16>, scalar_prefetch = 0 : i64, scratch_operands = 7 : i64, tpu.core_type = #tpu.core_type<sc_vector_subcore>, window_params = [{transform_indices = #map}, {transform_indices = #map1}, {transform_indices = #map1}]} {
    %mul3A = arith.constant 2 : i32
    %mul3A_0 = arith.muli %arg1, %mul3A : i32
    %add3A = arith.addi %mul3A_0, %arg0 : i32
    %mul3A_1 = arith.constant 13312 : i32
    %mul3A_2 = arith.muli %add3A, %mul3A_1 : i32
    "tpu.region"() ({
      %run_scoped3A = tpu.sem_alloc : memref<!tpu.dma_semaphore, #tpu.memory_space<semaphore_mem>>
      %dma_start3A_161 = tpu.memref_slice %arg2[%mul3A_2] : memref<425984xi32, #tpu.memory_space<hbm>> -> memref<13312xi32, #tpu.memory_space<hbm>>
      %dma_start3A_162 = tpu.memref_slice %arg2[%mul3A_2] : memref<425984xi32, #tpu.memory_space<hbm>> -> memref<13312xi32, #tpu.memory_space<hbm>>
      tpu.enqueue_dma source(%dma_start3A_162 : memref<13312xi32, #tpu.memory_space<hbm>>) target(%arg5 : memref<13312xi32, #tpu.memory_space<vmem>>) target_semaphore(%run_scoped3A : memref<!tpu.dma_semaphore, #tpu.memory_space<semaphore_mem>>)
      %dma_wait3A_163 = tpu.memref_slice %arg2[%mul3A_2] : memref<425984xi32, #tpu.memory_space<hbm>> -> memref<13312xi32, #tpu.memory_space<hbm>>
      %dma_wait3A_164 = tpu.memref_slice %arg2[%mul3A_2] : memref<425984xi32, #tpu.memory_space<hbm>> -> memref<13312xi32, #tpu.memory_space<hbm>>
      tpu.wait_dma2 semaphore(%run_scoped3A : memref<!tpu.dma_semaphore, #tpu.memory_space<semaphore_mem>>) src(%dma_wait3A_164 : memref<13312xi32, #tpu.memory_space<hbm>>) dst(%arg5 : memref<13312xi32, #tpu.memory_space<vmem>>)
      tpu.yield
    }) : () -> ()
    %dma_start3A = arith.constant 0 : i32
    %dma_start3A_3 = tpu.memref_slice %arg5[%dma_start3A] : memref<13312xi32, #tpu.memory_space<vmem>> -> memref<1664xi32, #tpu.memory_space<vmem>>
    %dma_start3A_4 = arith.constant 0 : i32
    %dma_start3A_5 = arith.constant 0 : i32
    %dma_start3A_6 = tpu.memref_slice %arg3[%dma_start3A_4, %dma_start3A_5] : memref<1000000x32xf32, #tpu.memory_space<hbm>> -> memref<1000000x32xf32, #tpu.memory_space<hbm>>
    tpu.enqueue_indirect_dma source(%dma_start3A_6 : memref<1000000x32xf32, #tpu.memory_space<hbm>>) target(%arg6 : memref<1664x32xf32, #tpu.memory_space<vmem>>) offsets(%dma_start3A_3 : memref<1664xi32, #tpu.memory_space<vmem>>) semaphore(%arg8 : memref<!tpu.dma_semaphore, #tpu.memory_space<semaphore_mem>>)
    %dma_start3A_7 = arith.constant 1664 : i32
    %dma_start3A_8 = tpu.memref_slice %arg5[%dma_start3A_7] : memref<13312xi32, #tpu.memory_space<vmem>> -> memref<1664xi32, #tpu.memory_space<vmem>>
    %dma_start3A_9 = arith.constant 0 : i32
    %dma_start3A_10 = arith.constant 0 : i32
    %dma_start3A_11 = tpu.memref_slice %arg3[%dma_start3A_9, %dma_start3A_10] : memref<1000000x32xf32, #tpu.memory_space<hbm>> -> memref<1000000x32xf32, #tpu.memory_space<hbm>>
    tpu.enqueue_indirect_dma source(%dma_start3A_11 : memref<1000000x32xf32, #tpu.memory_space<hbm>>) target(%arg7 : memref<1664x32xf32, #tpu.memory_space<vmem>>) offsets(%dma_start3A_8 : memref<1664xi32, #tpu.memory_space<vmem>>) semaphore(%arg9 : memref<!tpu.dma_semaphore, #tpu.memory_space<semaphore_mem>>)
    %dma_wait3A = arith.constant 0 : i32
    %dma_wait3A_12 = tpu.memref_slice %arg5[%dma_wait3A] : memref<13312xi32, #tpu.memory_space<vmem>> -> memref<1664xi32, #tpu.memory_space<vmem>>
    %dma_wait3A_13 = arith.constant 0 : i32
    %dma_wait3A_14 = arith.constant 0 : i32
    %dma_wait3A_15 = tpu.memref_slice %arg3[%dma_wait3A_13, %dma_wait3A_14] : memref<1000000x32xf32, #tpu.memory_space<hbm>> -> memref<1000000x32xf32, #tpu.memory_space<hbm>>
    tpu.wait_indirect_dma semaphore(%arg8 : memref<!tpu.dma_semaphore, #tpu.memory_space<semaphore_mem>>) src(%dma_wait3A_15 : memref<1000000x32xf32, #tpu.memory_space<hbm>>) dst(%arg6 : memref<1664x32xf32, #tpu.memory_space<vmem>>)
    %add3A_16 = arith.constant 0 : i32
    %add3A_17 = arith.addi %mul3A_2, %add3A_16 : i32
    %dma_start3A_18 = arith.constant 0 : i32
    %dma_start3A_19 = tpu.memref_slice %arg4[%add3A_17, %dma_start3A_18] : memref<425984x32xf32, #tpu.memory_space<hbm>> -> memref<1664x32xf32, #tpu.memory_space<hbm>>
    %dma_start3A_20 = arith.constant 0 : i32
    %dma_start3A_21 = tpu.memref_slice %arg4[%add3A_17, %dma_start3A_20] : memref<425984x32xf32, #tpu.memory_space<hbm>> -> memref<1664x32xf32, #tpu.memory_space<hbm>>
    tpu.enqueue_dma source(%arg6 : memref<1664x32xf32, #tpu.memory_space<vmem>>) target(%dma_start3A_21 : memref<1664x32xf32, #tpu.memory_space<hbm>>) target_semaphore(%arg10 : memref<!tpu.dma_semaphore, #tpu.memory_space<semaphore_mem>>)
    %dma_wait3A_22 = arith.constant 0 : i32
    %dma_wait3A_23 = tpu.memref_slice %arg4[%add3A_17, %dma_wait3A_22] : memref<425984x32xf32, #tpu.memory_space<hbm>> -> memref<1664x32xf32, #tpu.memory_space<hbm>>
    %dma_wait3A_24 = arith.constant 0 : i32
    %dma_wait3A_25 = tpu.memref_slice %arg4[%add3A_17, %dma_wait3A_24] : memref<425984x32xf32, #tpu.memory_space<hbm>> -> memref<1664x32xf32, #tpu.memory_space<hbm>>
    tpu.wait_dma2 semaphore(%arg10 : memref<!tpu.dma_semaphore, #tpu.memory_space<semaphore_mem>>) src(%arg6 : memref<1664x32xf32, #tpu.memory_space<vmem>>) dst(%dma_wait3A_25 : memref<1664x32xf32, #tpu.memory_space<hbm>>)
    %dma_start3A_26 = arith.constant 3328 : i32
    %dma_start3A_27 = tpu.memref_slice %arg5[%dma_start3A_26] : memref<13312xi32, #tpu.memory_space<vmem>> -> memref<1664xi32, #tpu.memory_space<vmem>>
    %dma_start3A_28 = arith.constant 0 : i32
    %dma_start3A_29 = arith.constant 0 : i32
    %dma_start3A_30 = tpu.memref_slice %arg3[%dma_start3A_28, %dma_start3A_29] : memref<1000000x32xf32, #tpu.memory_space<hbm>> -> memref<1000000x32xf32, #tpu.memory_space<hbm>>
    tpu.enqueue_indirect_dma source(%dma_start3A_30 : memref<1000000x32xf32, #tpu.memory_space<hbm>>) target(%arg6 : memref<1664x32xf32, #tpu.memory_space<vmem>>) offsets(%dma_start3A_27 : memref<1664xi32, #tpu.memory_space<vmem>>) semaphore(%arg8 : memref<!tpu.dma_semaphore, #tpu.memory_space<semaphore_mem>>)
    %dma_wait3A_31 = arith.constant 1664 : i32
    %dma_wait3A_32 = tpu.memref_slice %arg5[%dma_wait3A_31] : memref<13312xi32, #tpu.memory_space<vmem>> -> memref<1664xi32, #tpu.memory_space<vmem>>
    %dma_wait3A_33 = arith.constant 0 : i32
    %dma_wait3A_34 = arith.constant 0 : i32
    %dma_wait3A_35 = tpu.memref_slice %arg3[%dma_wait3A_33, %dma_wait3A_34] : memref<1000000x32xf32, #tpu.memory_space<hbm>> -> memref<1000000x32xf32, #tpu.memory_space<hbm>>
    tpu.wait_indirect_dma semaphore(%arg9 : memref<!tpu.dma_semaphore, #tpu.memory_space<semaphore_mem>>) src(%dma_wait3A_35 : memref<1000000x32xf32, #tpu.memory_space<hbm>>) dst(%arg7 : memref<1664x32xf32, #tpu.memory_space<vmem>>)
    %add3A_36 = arith.constant 1664 : i32
    %add3A_37 = arith.addi %mul3A_2, %add3A_36 : i32
    %dma_start3A_38 = arith.constant 0 : i32
    %dma_start3A_39 = tpu.memref_slice %arg4[%add3A_37, %dma_start3A_38] : memref<425984x32xf32, #tpu.memory_space<hbm>> -> memref<1664x32xf32, #tpu.memory_space<hbm>>
    %dma_start3A_40 = arith.constant 0 : i32
    %dma_start3A_41 = tpu.memref_slice %arg4[%add3A_37, %dma_start3A_40] : memref<425984x32xf32, #tpu.memory_space<hbm>> -> memref<1664x32xf32, #tpu.memory_space<hbm>>
    tpu.enqueue_dma source(%arg7 : memref<1664x32xf32, #tpu.memory_space<vmem>>) target(%dma_start3A_41 : memref<1664x32xf32, #tpu.memory_space<hbm>>) target_semaphore(%arg11 : memref<!tpu.dma_semaphore, #tpu.memory_space<semaphore_mem>>)
    %dma_wait3A_42 = arith.constant 0 : i32
    %dma_wait3A_43 = tpu.memref_slice %arg4[%add3A_37, %dma_wait3A_42] : memref<425984x32xf32, #tpu.memory_space<hbm>> -> memref<1664x32xf32, #tpu.memory_space<hbm>>
    %dma_wait3A_44 = arith.constant 0 : i32
    %dma_wait3A_45 = tpu.memref_slice %arg4[%add3A_37, %dma_wait3A_44] : memref<425984x32xf32, #tpu.memory_space<hbm>> -> memref<1664x32xf32, #tpu.memory_space<hbm>>
    tpu.wait_dma2 semaphore(%arg11 : memref<!tpu.dma_semaphore, #tpu.memory_space<semaphore_mem>>) src(%arg7 : memref<1664x32xf32, #tpu.memory_space<vmem>>) dst(%dma_wait3A_45 : memref<1664x32xf32, #tpu.memory_space<hbm>>)
    %dma_start3A_46 = arith.constant 4992 : i32
    %dma_start3A_47 = tpu.memref_slice %arg5[%dma_start3A_46] : memref<13312xi32, #tpu.memory_space<vmem>> -> memref<1664xi32, #tpu.memory_space<vmem>>
    %dma_start3A_48 = arith.constant 0 : i32
    %dma_start3A_49 = arith.constant 0 : i32
    %dma_start3A_50 = tpu.memref_slice %arg3[%dma_start3A_48, %dma_start3A_49] : memref<1000000x32xf32, #tpu.memory_space<hbm>> -> memref<1000000x32xf32, #tpu.memory_space<hbm>>
    tpu.enqueue_indirect_dma source(%dma_start3A_50 : memref<1000000x32xf32, #tpu.memory_space<hbm>>) target(%arg7 : memref<1664x32xf32, #tpu.memory_space<vmem>>) offsets(%dma_start3A_47 : memref<1664xi32, #tpu.memory_space<vmem>>) semaphore(%arg9 : memref<!tpu.dma_semaphore, #tpu.memory_space<semaphore_mem>>)
    %dma_wait3A_51 = arith.constant 3328 : i32
    %dma_wait3A_52 = tpu.memref_slice %arg5[%dma_wait3A_51] : memref<13312xi32, #tpu.memory_space<vmem>> -> memref<1664xi32, #tpu.memory_space<vmem>>
    %dma_wait3A_53 = arith.constant 0 : i32
    %dma_wait3A_54 = arith.constant 0 : i32
    %dma_wait3A_55 = tpu.memref_slice %arg3[%dma_wait3A_53, %dma_wait3A_54] : memref<1000000x32xf32, #tpu.memory_space<hbm>> -> memref<1000000x32xf32, #tpu.memory_space<hbm>>
    tpu.wait_indirect_dma semaphore(%arg8 : memref<!tpu.dma_semaphore, #tpu.memory_space<semaphore_mem>>) src(%dma_wait3A_55 : memref<1000000x32xf32, #tpu.memory_space<hbm>>) dst(%arg6 : memref<1664x32xf32, #tpu.memory_space<vmem>>)
    %add3A_56 = arith.constant 3328 : i32
    %add3A_57 = arith.addi %mul3A_2, %add3A_56 : i32
    %dma_start3A_58 = arith.constant 0 : i32
    %dma_start3A_59 = tpu.memref_slice %arg4[%add3A_57, %dma_start3A_58] : memref<425984x32xf32, #tpu.memory_space<hbm>> -> memref<1664x32xf32, #tpu.memory_space<hbm>>
    %dma_start3A_60 = arith.constant 0 : i32
    %dma_start3A_61 = tpu.memref_slice %arg4[%add3A_57, %dma_start3A_60] : memref<425984x32xf32, #tpu.memory_space<hbm>> -> memref<1664x32xf32, #tpu.memory_space<hbm>>
    tpu.enqueue_dma source(%arg6 : memref<1664x32xf32, #tpu.memory_space<vmem>>) target(%dma_start3A_61 : memref<1664x32xf32, #tpu.memory_space<hbm>>) target_semaphore(%arg10 : memref<!tpu.dma_semaphore, #tpu.memory_space<semaphore_mem>>)
    %dma_wait3A_62 = arith.constant 0 : i32
    %dma_wait3A_63 = tpu.memref_slice %arg4[%add3A_57, %dma_wait3A_62] : memref<425984x32xf32, #tpu.memory_space<hbm>> -> memref<1664x32xf32, #tpu.memory_space<hbm>>
    %dma_wait3A_64 = arith.constant 0 : i32
    %dma_wait3A_65 = tpu.memref_slice %arg4[%add3A_57, %dma_wait3A_64] : memref<425984x32xf32, #tpu.memory_space<hbm>> -> memref<1664x32xf32, #tpu.memory_space<hbm>>
    tpu.wait_dma2 semaphore(%arg10 : memref<!tpu.dma_semaphore, #tpu.memory_space<semaphore_mem>>) src(%arg6 : memref<1664x32xf32, #tpu.memory_space<vmem>>) dst(%dma_wait3A_65 : memref<1664x32xf32, #tpu.memory_space<hbm>>)
    %dma_start3A_66 = arith.constant 6656 : i32
    %dma_start3A_67 = tpu.memref_slice %arg5[%dma_start3A_66] : memref<13312xi32, #tpu.memory_space<vmem>> -> memref<1664xi32, #tpu.memory_space<vmem>>
    %dma_start3A_68 = arith.constant 0 : i32
    %dma_start3A_69 = arith.constant 0 : i32
    %dma_start3A_70 = tpu.memref_slice %arg3[%dma_start3A_68, %dma_start3A_69] : memref<1000000x32xf32, #tpu.memory_space<hbm>> -> memref<1000000x32xf32, #tpu.memory_space<hbm>>
    tpu.enqueue_indirect_dma source(%dma_start3A_70 : memref<1000000x32xf32, #tpu.memory_space<hbm>>) target(%arg6 : memref<1664x32xf32, #tpu.memory_space<vmem>>) offsets(%dma_start3A_67 : memref<1664xi32, #tpu.memory_space<vmem>>) semaphore(%arg8 : memref<!tpu.dma_semaphore, #tpu.memory_space<semaphore_mem>>)
    %dma_wait3A_71 = arith.constant 4992 : i32
    %dma_wait3A_72 = tpu.memref_slice %arg5[%dma_wait3A_71] : memref<13312xi32, #tpu.memory_space<vmem>> -> memref<1664xi32, #tpu.memory_space<vmem>>
    %dma_wait3A_73 = arith.constant 0 : i32
    %dma_wait3A_74 = arith.constant 0 : i32
    %dma_wait3A_75 = tpu.memref_slice %arg3[%dma_wait3A_73, %dma_wait3A_74] : memref<1000000x32xf32, #tpu.memory_space<hbm>> -> memref<1000000x32xf32, #tpu.memory_space<hbm>>
    tpu.wait_indirect_dma semaphore(%arg9 : memref<!tpu.dma_semaphore, #tpu.memory_space<semaphore_mem>>) src(%dma_wait3A_75 : memref<1000000x32xf32, #tpu.memory_space<hbm>>) dst(%arg7 : memref<1664x32xf32, #tpu.memory_space<vmem>>)
    %add3A_76 = arith.constant 4992 : i32
    %add3A_77 = arith.addi %mul3A_2, %add3A_76 : i32
    %dma_start3A_78 = arith.constant 0 : i32
    %dma_start3A_79 = tpu.memref_slice %arg4[%add3A_77, %dma_start3A_78] : memref<425984x32xf32, #tpu.memory_space<hbm>> -> memref<1664x32xf32, #tpu.memory_space<hbm>>
    %dma_start3A_80 = arith.constant 0 : i32
    %dma_start3A_81 = tpu.memref_slice %arg4[%add3A_77, %dma_start3A_80] : memref<425984x32xf32, #tpu.memory_space<hbm>> -> memref<1664x32xf32, #tpu.memory_space<hbm>>
    tpu.enqueue_dma source(%arg7 : memref<1664x32xf32, #tpu.memory_space<vmem>>) target(%dma_start3A_81 : memref<1664x32xf32, #tpu.memory_space<hbm>>) target_semaphore(%arg11 : memref<!tpu.dma_semaphore, #tpu.memory_space<semaphore_mem>>)
    %dma_wait3A_82 = arith.constant 0 : i32
    %dma_wait3A_83 = tpu.memref_slice %arg4[%add3A_77, %dma_wait3A_82] : memref<425984x32xf32, #tpu.memory_space<hbm>> -> memref<1664x32xf32, #tpu.memory_space<hbm>>
    %dma_wait3A_84 = arith.constant 0 : i32
    %dma_wait3A_85 = tpu.memref_slice %arg4[%add3A_77, %dma_wait3A_84] : memref<425984x32xf32, #tpu.memory_space<hbm>> -> memref<1664x32xf32, #tpu.memory_space<hbm>>
    tpu.wait_dma2 semaphore(%arg11 : memref<!tpu.dma_semaphore, #tpu.memory_space<semaphore_mem>>) src(%arg7 : memref<1664x32xf32, #tpu.memory_space<vmem>>) dst(%dma_wait3A_85 : memref<1664x32xf32, #tpu.memory_space<hbm>>)
    %dma_start3A_86 = arith.constant 8320 : i32
    %dma_start3A_87 = tpu.memref_slice %arg5[%dma_start3A_86] : memref<13312xi32, #tpu.memory_space<vmem>> -> memref<1664xi32, #tpu.memory_space<vmem>>
    %dma_start3A_88 = arith.constant 0 : i32
    %dma_start3A_89 = arith.constant 0 : i32
    %dma_start3A_90 = tpu.memref_slice %arg3[%dma_start3A_88, %dma_start3A_89] : memref<1000000x32xf32, #tpu.memory_space<hbm>> -> memref<1000000x32xf32, #tpu.memory_space<hbm>>
    tpu.enqueue_indirect_dma source(%dma_start3A_90 : memref<1000000x32xf32, #tpu.memory_space<hbm>>) target(%arg7 : memref<1664x32xf32, #tpu.memory_space<vmem>>) offsets(%dma_start3A_87 : memref<1664xi32, #tpu.memory_space<vmem>>) semaphore(%arg9 : memref<!tpu.dma_semaphore, #tpu.memory_space<semaphore_mem>>)
    %dma_wait3A_91 = arith.constant 6656 : i32
    %dma_wait3A_92 = tpu.memref_slice %arg5[%dma_wait3A_91] : memref<13312xi32, #tpu.memory_space<vmem>> -> memref<1664xi32, #tpu.memory_space<vmem>>
    %dma_wait3A_93 = arith.constant 0 : i32
    %dma_wait3A_94 = arith.constant 0 : i32
    %dma_wait3A_95 = tpu.memref_slice %arg3[%dma_wait3A_93, %dma_wait3A_94] : memref<1000000x32xf32, #tpu.memory_space<hbm>> -> memref<1000000x32xf32, #tpu.memory_space<hbm>>
    tpu.wait_indirect_dma semaphore(%arg8 : memref<!tpu.dma_semaphore, #tpu.memory_space<semaphore_mem>>) src(%dma_wait3A_95 : memref<1000000x32xf32, #tpu.memory_space<hbm>>) dst(%arg6 : memref<1664x32xf32, #tpu.memory_space<vmem>>)
    %add3A_96 = arith.constant 6656 : i32
    %add3A_97 = arith.addi %mul3A_2, %add3A_96 : i32
    %dma_start3A_98 = arith.constant 0 : i32
    %dma_start3A_99 = tpu.memref_slice %arg4[%add3A_97, %dma_start3A_98] : memref<425984x32xf32, #tpu.memory_space<hbm>> -> memref<1664x32xf32, #tpu.memory_space<hbm>>
    %dma_start3A_100 = arith.constant 0 : i32
    %dma_start3A_101 = tpu.memref_slice %arg4[%add3A_97, %dma_start3A_100] : memref<425984x32xf32, #tpu.memory_space<hbm>> -> memref<1664x32xf32, #tpu.memory_space<hbm>>
    tpu.enqueue_dma source(%arg6 : memref<1664x32xf32, #tpu.memory_space<vmem>>) target(%dma_start3A_101 : memref<1664x32xf32, #tpu.memory_space<hbm>>) target_semaphore(%arg10 : memref<!tpu.dma_semaphore, #tpu.memory_space<semaphore_mem>>)
    %dma_wait3A_102 = arith.constant 0 : i32
    %dma_wait3A_103 = tpu.memref_slice %arg4[%add3A_97, %dma_wait3A_102] : memref<425984x32xf32, #tpu.memory_space<hbm>> -> memref<1664x32xf32, #tpu.memory_space<hbm>>
    %dma_wait3A_104 = arith.constant 0 : i32
    %dma_wait3A_105 = tpu.memref_slice %arg4[%add3A_97, %dma_wait3A_104] : memref<425984x32xf32, #tpu.memory_space<hbm>> -> memref<1664x32xf32, #tpu.memory_space<hbm>>
    tpu.wait_dma2 semaphore(%arg10 : memref<!tpu.dma_semaphore, #tpu.memory_space<semaphore_mem>>) src(%arg6 : memref<1664x32xf32, #tpu.memory_space<vmem>>) dst(%dma_wait3A_105 : memref<1664x32xf32, #tpu.memory_space<hbm>>)
    %dma_start3A_106 = arith.constant 9984 : i32
    %dma_start3A_107 = tpu.memref_slice %arg5[%dma_start3A_106] : memref<13312xi32, #tpu.memory_space<vmem>> -> memref<1664xi32, #tpu.memory_space<vmem>>
    %dma_start3A_108 = arith.constant 0 : i32
    %dma_start3A_109 = arith.constant 0 : i32
    %dma_start3A_110 = tpu.memref_slice %arg3[%dma_start3A_108, %dma_start3A_109] : memref<1000000x32xf32, #tpu.memory_space<hbm>> -> memref<1000000x32xf32, #tpu.memory_space<hbm>>
    tpu.enqueue_indirect_dma source(%dma_start3A_110 : memref<1000000x32xf32, #tpu.memory_space<hbm>>) target(%arg6 : memref<1664x32xf32, #tpu.memory_space<vmem>>) offsets(%dma_start3A_107 : memref<1664xi32, #tpu.memory_space<vmem>>) semaphore(%arg8 : memref<!tpu.dma_semaphore, #tpu.memory_space<semaphore_mem>>)
    %dma_wait3A_111 = arith.constant 8320 : i32
    %dma_wait3A_112 = tpu.memref_slice %arg5[%dma_wait3A_111] : memref<13312xi32, #tpu.memory_space<vmem>> -> memref<1664xi32, #tpu.memory_space<vmem>>
    %dma_wait3A_113 = arith.constant 0 : i32
    %dma_wait3A_114 = arith.constant 0 : i32
    %dma_wait3A_115 = tpu.memref_slice %arg3[%dma_wait3A_113, %dma_wait3A_114] : memref<1000000x32xf32, #tpu.memory_space<hbm>> -> memref<1000000x32xf32, #tpu.memory_space<hbm>>
    tpu.wait_indirect_dma semaphore(%arg9 : memref<!tpu.dma_semaphore, #tpu.memory_space<semaphore_mem>>) src(%dma_wait3A_115 : memref<1000000x32xf32, #tpu.memory_space<hbm>>) dst(%arg7 : memref<1664x32xf32, #tpu.memory_space<vmem>>)
    %add3A_116 = arith.constant 8320 : i32
    %add3A_117 = arith.addi %mul3A_2, %add3A_116 : i32
    %dma_start3A_118 = arith.constant 0 : i32
    %dma_start3A_119 = tpu.memref_slice %arg4[%add3A_117, %dma_start3A_118] : memref<425984x32xf32, #tpu.memory_space<hbm>> -> memref<1664x32xf32, #tpu.memory_space<hbm>>
    %dma_start3A_120 = arith.constant 0 : i32
    %dma_start3A_121 = tpu.memref_slice %arg4[%add3A_117, %dma_start3A_120] : memref<425984x32xf32, #tpu.memory_space<hbm>> -> memref<1664x32xf32, #tpu.memory_space<hbm>>
    tpu.enqueue_dma source(%arg7 : memref<1664x32xf32, #tpu.memory_space<vmem>>) target(%dma_start3A_121 : memref<1664x32xf32, #tpu.memory_space<hbm>>) target_semaphore(%arg11 : memref<!tpu.dma_semaphore, #tpu.memory_space<semaphore_mem>>)
    %dma_wait3A_122 = arith.constant 0 : i32
    %dma_wait3A_123 = tpu.memref_slice %arg4[%add3A_117, %dma_wait3A_122] : memref<425984x32xf32, #tpu.memory_space<hbm>> -> memref<1664x32xf32, #tpu.memory_space<hbm>>
    %dma_wait3A_124 = arith.constant 0 : i32
    %dma_wait3A_125 = tpu.memref_slice %arg4[%add3A_117, %dma_wait3A_124] : memref<425984x32xf32, #tpu.memory_space<hbm>> -> memref<1664x32xf32, #tpu.memory_space<hbm>>
    tpu.wait_dma2 semaphore(%arg11 : memref<!tpu.dma_semaphore, #tpu.memory_space<semaphore_mem>>) src(%arg7 : memref<1664x32xf32, #tpu.memory_space<vmem>>) dst(%dma_wait3A_125 : memref<1664x32xf32, #tpu.memory_space<hbm>>)
    %dma_start3A_126 = arith.constant 11648 : i32
    %dma_start3A_127 = tpu.memref_slice %arg5[%dma_start3A_126] : memref<13312xi32, #tpu.memory_space<vmem>> -> memref<1664xi32, #tpu.memory_space<vmem>>
    %dma_start3A_128 = arith.constant 0 : i32
    %dma_start3A_129 = arith.constant 0 : i32
    %dma_start3A_130 = tpu.memref_slice %arg3[%dma_start3A_128, %dma_start3A_129] : memref<1000000x32xf32, #tpu.memory_space<hbm>> -> memref<1000000x32xf32, #tpu.memory_space<hbm>>
    tpu.enqueue_indirect_dma source(%dma_start3A_130 : memref<1000000x32xf32, #tpu.memory_space<hbm>>) target(%arg7 : memref<1664x32xf32, #tpu.memory_space<vmem>>) offsets(%dma_start3A_127 : memref<1664xi32, #tpu.memory_space<vmem>>) semaphore(%arg9 : memref<!tpu.dma_semaphore, #tpu.memory_space<semaphore_mem>>)
    %dma_wait3A_131 = arith.constant 9984 : i32
    %dma_wait3A_132 = tpu.memref_slice %arg5[%dma_wait3A_131] : memref<13312xi32, #tpu.memory_space<vmem>> -> memref<1664xi32, #tpu.memory_space<vmem>>
    %dma_wait3A_133 = arith.constant 0 : i32
    %dma_wait3A_134 = arith.constant 0 : i32
    %dma_wait3A_135 = tpu.memref_slice %arg3[%dma_wait3A_133, %dma_wait3A_134] : memref<1000000x32xf32, #tpu.memory_space<hbm>> -> memref<1000000x32xf32, #tpu.memory_space<hbm>>
    tpu.wait_indirect_dma semaphore(%arg8 : memref<!tpu.dma_semaphore, #tpu.memory_space<semaphore_mem>>) src(%dma_wait3A_135 : memref<1000000x32xf32, #tpu.memory_space<hbm>>) dst(%arg6 : memref<1664x32xf32, #tpu.memory_space<vmem>>)
    %add3A_136 = arith.constant 9984 : i32
    %add3A_137 = arith.addi %mul3A_2, %add3A_136 : i32
    %dma_start3A_138 = arith.constant 0 : i32
    %dma_start3A_139 = tpu.memref_slice %arg4[%add3A_137, %dma_start3A_138] : memref<425984x32xf32, #tpu.memory_space<hbm>> -> memref<1664x32xf32, #tpu.memory_space<hbm>>
    %dma_start3A_140 = arith.constant 0 : i32
    %dma_start3A_141 = tpu.memref_slice %arg4[%add3A_137, %dma_start3A_140] : memref<425984x32xf32, #tpu.memory_space<hbm>> -> memref<1664x32xf32, #tpu.memory_space<hbm>>
    tpu.enqueue_dma source(%arg6 : memref<1664x32xf32, #tpu.memory_space<vmem>>) target(%dma_start3A_141 : memref<1664x32xf32, #tpu.memory_space<hbm>>) target_semaphore(%arg10 : memref<!tpu.dma_semaphore, #tpu.memory_space<semaphore_mem>>)
    %dma_wait3A_142 = arith.constant 11648 : i32
    %dma_wait3A_143 = tpu.memref_slice %arg5[%dma_wait3A_142] : memref<13312xi32, #tpu.memory_space<vmem>> -> memref<1664xi32, #tpu.memory_space<vmem>>
    %dma_wait3A_144 = arith.constant 0 : i32
    %dma_wait3A_145 = arith.constant 0 : i32
    %dma_wait3A_146 = tpu.memref_slice %arg3[%dma_wait3A_144, %dma_wait3A_145] : memref<1000000x32xf32, #tpu.memory_space<hbm>> -> memref<1000000x32xf32, #tpu.memory_space<hbm>>
    tpu.wait_indirect_dma semaphore(%arg9 : memref<!tpu.dma_semaphore, #tpu.memory_space<semaphore_mem>>) src(%dma_wait3A_146 : memref<1000000x32xf32, #tpu.memory_space<hbm>>) dst(%arg7 : memref<1664x32xf32, #tpu.memory_space<vmem>>)
    %add3A_147 = arith.constant 11648 : i32
    %add3A_148 = arith.addi %mul3A_2, %add3A_147 : i32
    %dma_start3A_149 = arith.constant 0 : i32
    %dma_start3A_150 = tpu.memref_slice %arg4[%add3A_148, %dma_start3A_149] : memref<425984x32xf32, #tpu.memory_space<hbm>> -> memref<1664x32xf32, #tpu.memory_space<hbm>>
    %dma_start3A_151 = arith.constant 0 : i32
    %dma_start3A_152 = tpu.memref_slice %arg4[%add3A_148, %dma_start3A_151] : memref<425984x32xf32, #tpu.memory_space<hbm>> -> memref<1664x32xf32, #tpu.memory_space<hbm>>
    tpu.enqueue_dma source(%arg7 : memref<1664x32xf32, #tpu.memory_space<vmem>>) target(%dma_start3A_152 : memref<1664x32xf32, #tpu.memory_space<hbm>>) target_semaphore(%arg11 : memref<!tpu.dma_semaphore, #tpu.memory_space<semaphore_mem>>)
    %dma_wait3A_153 = arith.constant 0 : i32
    %dma_wait3A_154 = tpu.memref_slice %arg4[%add3A_137, %dma_wait3A_153] : memref<425984x32xf32, #tpu.memory_space<hbm>> -> memref<1664x32xf32, #tpu.memory_space<hbm>>
    %dma_wait3A_155 = arith.constant 0 : i32
    %dma_wait3A_156 = tpu.memref_slice %arg4[%add3A_137, %dma_wait3A_155] : memref<425984x32xf32, #tpu.memory_space<hbm>> -> memref<1664x32xf32, #tpu.memory_space<hbm>>
    tpu.wait_dma2 semaphore(%arg10 : memref<!tpu.dma_semaphore, #tpu.memory_space<semaphore_mem>>) src(%arg6 : memref<1664x32xf32, #tpu.memory_space<vmem>>) dst(%dma_wait3A_156 : memref<1664x32xf32, #tpu.memory_space<hbm>>)
    %dma_wait3A_157 = arith.constant 0 : i32
    %dma_wait3A_158 = tpu.memref_slice %arg4[%add3A_148, %dma_wait3A_157] : memref<425984x32xf32, #tpu.memory_space<hbm>> -> memref<1664x32xf32, #tpu.memory_space<hbm>>
    %dma_wait3A_159 = arith.constant 0 : i32
    %dma_wait3A_160 = tpu.memref_slice %arg4[%add3A_148, %dma_wait3A_159] : memref<425984x32xf32, #tpu.memory_space<hbm>> -> memref<1664x32xf32, #tpu.memory_space<hbm>>
    tpu.wait_dma2 semaphore(%arg11 : memref<!tpu.dma_semaphore, #tpu.memory_space<semaphore_mem>>) src(%arg7 : memref<1664x32xf32, #tpu.memory_space<vmem>>) dst(%dma_wait3A_160 : memref<1664x32xf32, #tpu.memory_space<hbm>>)
    return
  }
}

</mosaic_0001>

<sc_bundles>
// kernel: kernel.3.cloned.1.call-start
scs
__scs_entry_jumppad:
0x0: {  	(pc) =	sbr.rel $0x88, $3  }
0x1: {  	(tag) =	ssettag $0x0;
	lr =	simm.s32 $0x1  }
0x2: {  	[smem:$0x3F9F] =	sst lr;
	_ =	strace $0xD0000000  }
0x3: {  	_ = 	snop  }
0x4: {  	_ = 	snop  }
0x5: {  	_ = 	snop  }
0x6: {  	_ = 	snop  }
0x7: {  	_ = 	snop  }
__scs_overlays_trampoline_lowered:
0x8: {  	[smem:$0x3FAE] =	sst s0  }
0x9: {  	[smem:$0x3FAF] =	sst s1  }
0xa: {  	[smem:$0x3FB0] =	sst s2  }
0xb: {  	[smem:$0x3FB1] =	sst s3  }
0xc: {  	[smem:$0x3FB2] =	sst s4  }
0xd: {  	[smem:$0x3FB3] =	sst s5  }
0xe: {  	[smem:$0x3FB4] =	sst s6  }
0xf: {  	[smem:$0x3FB5] =	sst s7  }
0x10: {  	[smem:$0x3FB6] =	sst s8  }
0x11: {  	[smem:$0x3FB7] =	sst s9;
	s0 =	simm.s32 @!p0 $0x0  }
0x12: {  	s1 =	sld [smem:$0x3F9D];
	s0 =	simm.s32 @p0 $0x1  }
0x13: {  	[smem:$0x3FB8] =	sst s0;
	s0 =	simm.s32 @!p1 $0x0  }
0x14: {  	s2 =	sld [smem:$0x3F9C];
	s0 =	simm.s32 @p1 $0x1  }
0x15: {  	[smem:$0x3FB9] =	sst s0;
	s0 =	simm.s32 @!p2 $0x0  }
0x16: {  	s3 =	sld [smem:$0x3FDB];
	s0 =	simm.s32 @p2 $0x1  }
0x17: {  	s4 =	simm.s32 $0x1BF5;
	[smem:$0x3FBB] =	sst s0  }
0x18: {  	s0 =	sld [smem:$0x3F9E];
	_ =	swait.ge [sflag:s4], $0x0  }
0x19: {  	s7 =	sld [smem:$0x3F9F]  }
0x1a: {  	s8 =	sadd.s32 $0xFFFFE003, lr  }
0x1b: {  	s9 =	sadd.s32 $0xFFFFFEF7, lr;
	s5 =	simm.s32 $0xFFFFFFFF;
	p2 =	slt.u32 s8, $0xFFFFF086  }
0x1c: {  	p1 =	slt.u32 s9, $0xF7A;
	s5 =	simm.s32 @!p2 $0x0  }
0x1d: {  	s5 =	simm.s32 @p1 $0x1;
	p0 =	seq.s32 s7, s2  }
0x1e: {  	s7 =	smul.u32 @!p0 $0xF7A, s2;
	p2 =	seq.s32 @!p0 s5, $0x0  }
0x1f: {  	s9 =	smul.u32 $0xF7A, s1;
	s8 =	simm.s32 @!p0 $0x1BF5;
	p2 =	por !p2, p0  }
0x20: {  	[sflag:s8] =	ssyncset.s32 @!p0 $0xFFFFF086;
	s6 =	sadd.s32 @!p0 s3, s7;
	s7 =	simm.s32 @!p0 $0x108  }
0x21: {  	s3 =	sadd.s32 s3, s9;
	s6 =	sadd.s32 @!p0 $0x88, s6;
	s7 =	simm.s32 @p2 $0x1082  }
0x22: {  	[simem:s7], [sflag:s8] =	dma.local @!p0 [hbm:s6], $0xF7A  }
0x23: {  	s9 =	sor.u32 $0xD0000000, s2;
	s6 =	simm.s32 $0x108;
	_ =	swait.ge @!p0 [sflag:s8], $0x0  }
0x24: {  	s3 =	sadd.s32 $0x88, s3;
	s6 =	simm.s32 @!p1 $0x1082;
	[sflag:s4] =	ssyncset.s32 $0xFFFFF086  }
0x25: {  	[simem:s6], [sflag:s4] =	dma.local [hbm:s3], $0xF7A  }
0x26: {  	[smem:$0x3F9F] =	sst s1;
	(tag) =	ssettag s2;
	_ =	strace s9  }
0x27: {  	s1 =	sld [smem:$0x3FAF]  }
0x28: {  	s2 =	sld [smem:$0x3FB0]  }
0x29: {  	s4 =	sld [smem:$0x3FB2]  }
0x2a: {  	p0 =	seq.s32 s5, $0x0;
	s5 =	sld [smem:$0x3FB3]  }
0x2b: {  	s6 =	sld [smem:$0x3FB4]  }
0x2c: {  	s7 =	sld [smem:$0x3FB5]  }
0x2d: {  	s3 =	simm.s32 $0x108;
	s8 =	sld [smem:$0x3FB6]  }
0x2e: {  	s3 =	simm.s32 @!p0 $0x1082;
	s9 =	sld [smem:$0x3FB7]  }
0x2f: {  	lr =	sadd.s32 s0, s3;
	s0 =	sld [smem:$0x3FAE]  }
0x30: {  	s3 =	sld [smem:$0x3FB1]  }
0x31: {  	[smem:$0x3FBA] =	sst s10  }
0x32: {  	s10 =	sld [smem:$0x3FB8];
	_ =	sdelay $0x3  }
0x33: {  	p0 =	seq.s32 s10, $0x1;
	s10 =	sld [smem:$0x3FBA];
	_ =	sdelay $0x3  }
0x34: {  	[smem:$0x3FBA] =	sst s10  }
0x35: {  	s10 =	sld [smem:$0x3FB9];
	_ =	sdelay $0x3  }
0x36: {  	p1 =	seq.s32 s10, $0x1;
	s10 =	sld [smem:$0x3FBA];
	_ =	sdelay $0x3  }
0x37: {  	[smem:$0x3FBA] =	sst s10  }
0x38: {  	s10 =	sld [smem:$0x3FBB]  }
0x39: {  	_ = 	snop;
	(pc) =	sbr.ind lr, $3  }
0x3a: {  	_ = 	snop  }
0x3b: {  	_ = 	snop  }
0x3c: {  	p2 =	seq.s32 s10, $0x1;
	s10 =	sld [smem:$0x3FBA]  }
0x3d: {  	_ =	shalt  }
0x3e: {  	_ =	shalt  }
0x3f: {  	_ =	shalt  }
0x40: {  	_ =	shalt  }
0x41: {  	_ =	shalt  }
0x42: {  	_ =	shalt  }
0x43: {  	_ =	shalt  }
0x44: {  	_ =	shalt  }
0x45: {  	_ =	shalt  }
0x46: {  	_ =	shalt  }
0x47: {  	_ =	shalt  }
0x48: {  	_ =	shalt  }
0x49: {  	_ =	shalt  }
0x4a: {  	_ =	shalt  }
0x4b: {  	_ =	shalt  }
0x4c: {  	_ =	shalt  }
0x4d: {  	_ =	shalt  }
0x4e: {  	_ =	shalt  }
0x4f: {  	_ =	shalt  }
0x50: {  	_ =	shalt  }
0x51: {  	_ =	shalt  }
0x52: {  	_ =	shalt  }
0x53: {  	_ =	shalt  }
0x54: {  	_ =	shalt  }
0x55: {  	_ =	shalt  }
0x56: {  	_ =	shalt  }
0x57: {  	_ =	shalt  }
0x58: {  	_ =	shalt  }
0x59: {  	_ =	shalt  }
0x5a: {  	_ =	shalt  }
0x5b: {  	_ =	shalt  }
0x5c: {  	_ =	shalt  }
0x5d: {  	_ =	shalt  }
0x5e: {  	_ =	shalt  }
0x5f: {  	_ =	shalt  }
0x60: {  	_ =	shalt  }
0x61: {  	_ =	shalt  }
0x62: {  	_ =	shalt  }
0x63: {  	_ =	shalt  }
0x64: {  	_ =	shalt  }
0x65: {  	_ =	shalt  }
0x66: {  	_ =	shalt  }
0x67: {  	_ =	shalt  }
0x68: {  	_ =	shalt  }
0x69: {  	_ =	shalt  }
0x6a: {  	_ =	shalt  }
0x6b: {  	_ =	shalt  }
0x6c: {  	_ =	shalt  }
0x6d: {  	_ =	shalt  }
0x6e: {  	_ =	shalt  }
0x6f: {  	_ =	shalt  }
0x70: {  	_ =	shalt  }
0x71: {  	_ =	shalt  }
0x72: {  	_ =	shalt  }
0x73: {  	_ =	shalt  }
0x74: {  	_ =	shalt  }
0x75: {  	_ =	shalt  }
0x76: {  	_ =	shalt  }
0x77: {  	_ =	shalt  }
0x78: {  	_ =	shalt  }
0x79: {  	_ =	shalt  }
0x7a: {  	_ =	shalt  }
0x7b: {  	_ =	shalt  }
0x7c: {  	_ =	shalt  }
0x7d: {  	_ =	shalt  }
0x7e: {  	_ =	shalt  }
0x7f: {  	_ =	shalt  }
0x80: {  	_ =	shalt  }
0x81: {  	_ =	shalt  }
0x82: {  	_ =	shalt  }
0x83: {  	_ =	shalt  }
0x84: {  	_ =	shalt  }
0x85: {  	_ =	shalt  }
0x86: {  	_ =	shalt  }
0x87: {  	_ =	shalt  }
.Lfunc_end0:
.L_simem_size_0:
called_computation.1_lowered:
.L_overlay_start_0:
0x88: {  	s2 =	sld [smem:$0x3FD9]  }
0x89: {  	s3 =	sld [smem:$0x3FFE];
	_ =	sdelay $0x1  }
0x8a: {  	s1 =	srdreg.scid  }
0x8b: {  	s0 =	sand.u32 $0x1, s1  }
0x8c: {  	s17 =	sshll.u32 s0, $0xA;
	s2 =	sadd.s32 s3, s2  }
0x8d: {  	s2 =	sadd.s32 s2, s17  }
0x8e: {  	[smem:$0x3FC6] =	sst s2  }
0x8f: {  	_ = 	snop  }
0x90: {  	s2 =	sld [smem:$0x3FD0];
	(tm) =	ssettm $0x1  }
0x91: {  	s18 =	sld [smem:$0x3FFB];
	_ =	sdelay $0x3  }
0x92: {  	_ =	strace s18  }
0x93: {  	s3 =	sld [smem:$0x3FFC];
	_ =	sdelay $0x3  }
0x94: {  	_ =	strace s3  }
0x95: {  	s3 =	sld [smem:$0x3FFD];
	_ =	sdelay $0x3  }
0x96: {  	_ =	strace s3  }
0x97: {  	_ =	strace $0x8FFFFFFF  }
0x98: {  	s19 =	sld [smem:$0x3FDB];
	_ =	sdelay $0x1  }
0x99: {  	s4 =	simm.s32 $_scs_section_size  }
0x9a: {  	s5 =	simm.s32 $_size__tile_overlayer_lowered;
	s6 =	simm.s32 $_tile_overlayer_lowered  }
0x9b: {  	s22 =	simm.s32 $0x1BFF;
	s21 =	sshll.u32 s6, $0x1;
	s3 =	sadd.s32 s4, s19  }
0x9c: {  	s7 =	simm.s32 $0x0;
	s20 =	sshll.u32 s5, $0x1;
	s5 =	sadd.s32 s21, s3  }
0x9d: {  	[timem:s7], [sflag:s22] =	dma.local [hbm:s5], s20  }
0x9e: {  	_ =	swait.ge [sflag:s22], s20  }
0x9f: {  	s4 =	ssub.s32 $0x0, s20;
	[sflag:s22] =	ssyncset.done $0x0  }
0xa0: {  	[sflag:s22] =	ssyncadd.s32 s4;
	_ =	sdelay $0x1  }
0xa1: {  	s23 =	simm.s32 $0x1B8B  }
0xa2: {  	_ =	swait.ge [sflag:s23], $0x1  }
0xa3: {  	[sflag:s23] =	ssyncset.done $0x0  }
0xa4: {  	s25 =	simm.s32 $0x1B8E;
	s24 =	sld [smem:$0x3FFE];
	[sflag:s23] =	ssyncadd.s32 $0xFFFFFFFF  }
0xa5: {  	s26 =	simm.s32 $execute0_lowered;
	[smem:$0x3FD2] =	sst s25  }
0xa6: {  	s5 =	sshll.u32 s26, $0x1;
	_ =	strace $0x80000046;
	[dreg:$0x1] =	wrdreg $0xFFFFFFFF  }
0xa7: {  	s28 =	simm.s32 $_size_execute0_lowered;
	s3 =	sadd.s32 s3, s5;
	[dreg:$0x0] =	wrdreg $0x0  }
0xa8: {  	s5 =	sshll.u32 s28, $0x1;
	[dreg:$0x2] =	wrdreg s3  }
0xa9: {  	[dreg:$0x3] =	wrdreg s5  }
0xaa: {  	[dreg:$0x4] =	wrdreg $0xC0  }
0xab: {  	_ =	task [dreg:s7], $0x5FFFF  }
0xac: {  	[dreg:$0x1] =	wrdreg $0xFFFFFFFF  }
0xad: {  	[dreg:$0x0] =	wrdreg $0x60  }
0xae: {  	[dreg:$0x2] =	wrdreg s24  }
0xaf: {  	[dreg:$0x3] =	wrdreg s2  }
0xb0: {  	[dreg:$0x4] =	wrdreg $0x9  }
0xb1: {  	_ =	task.clear_ibuf [dreg:s7], $0x5FFFF;
	_ =	strace $0x90000046  }
0xb2: {  	s29 =	simm.s32 $0x9;
	_ =	strace $0x80000048  }
0xb3: {  	_ =	swait.ge [sflag:s29], $0x1  }
0xb4: {  	[sflag:s29] =	ssyncadd.s32 $0xFFFFFFFF  }
0xb5: {  	_ =	strace $0x90000048  }
0xb6: {  	_ =	sfence  }
0xb7: {  	s30 =	sld [smem:$0x0];
	_ =	sdelay $0x2  }
0xb8: {  	s31 =	sshll.u32 s1, $0xD;
	s1 =	sshrl.u32 s1, $0x2  }
0xb9: {  	s3 =	sand.u32 $0x4000, s31;
	s1 =	sadd.s32 s1, s30  }
0xba: {  	s0 =	sor.u32 s3, s0;
	s1 =	sshll.u32 s1, $0x11  }
0xbb: {  	s0 =	sor.u32 s1, s0  }
0xbc: {  	s0 =	sadd.s32 $0x8F2B, s0  }
0xbd: {  	[sflag:s0] =	ssyncadd.remote.s32 $0x1  }
0xbe: {  	_ =	sfence.sel $0xFFFF  }
0xbf: {  	[dreg:$0x0] =	wrdreg $0xFFFFFFFF;
	(pc) =	sbr.abs _section_cstart, $3  }
0xc0: {  	[dreg:$0x1] =	wrdreg $0xFFFFFFFF  }
0xc1: {  	_ =	task.clear_ibuf [dreg:s7], $0x2FFFF;
	_ =	strace $0x9FFFFFFF  }
0xc2: {  	(tm) =	ssettm $0x7FFFFFFF  }
0xc3: {  	_ =	shalt  }
tec
execute0_lowered:
.L_overlay_start_1:
0x0: {  	(tag) =	ssettag $0x1  }
0x1: {  	s1 =	srdreg.scid;
	s0 =	stileid.u32  }
0x2: {  	s26 =	sand.u32 $0x1, s1;
	s31 =	sshll.u32 s0, $0x1  }
0x3: {  	s12 =	sor.u32 s26, s31  }
0x4: {  	s5 =	rddreg [dreg:$0x0];
	s3 =	smul.u32 $0x680, s12  }
0x5: {  	s14 =	rddreg [dreg:$0x1];
	s2 =	simm.s32 $0x0  }
0x6: {  	s4 =	simm.s32 $0x5;
	[smem:$0x7FF] =	sst s2;
	s3 =	sadd.s32 s3, s5  }
0x7: {  	s1 =	rddreg [dreg:$0x2];
	_ =	strace $0x80000047;
	s3 =	sadd.s32 $0xA00, s3  }
0x8: {  	[tilespmem:s2], [sflag:$0x5] =	stream.linear.gather [hbm4b:s3+s2], $0x3400, $0x38;
	[tilespmem:$0x1D400] =	vst v63  }
0x9: {  	_ =	swait.ge [sflag:s4], $0x3400  }
0xa: {  	s6 =	simm.s32 $0x680;
	[sflag:s4] =	ssyncset.done $0x0  }
0xb: {  	s7 =	simm.s32 $0x3400;
	s5 =	sadd.s32 $0xF42E00, s5;
	[sflag:s4] =	ssyncadd.s32 $0xFFFFCC00  }
0xc: {  	[tilespmem:s7], [sflag:$0x1] =	stream.indirect.gather [hbm4b:s5+s6], $0x20, s2, s6, $0xb8;
	[tilespmem:$0x1D400] =	vst v63  }
0xd: {  	s8 =	simm.s32 $0x10400;
	s9 =	simm.s32 $0x1  }
0xe: {  	[tilespmem:s8], [sflag:$0x2] =	stream.indirect.gather [hbm4b:s5+s6], $0x20, s6, s6, $0xb8;
	[tilespmem:$0x1D400] =	vst v63  }
0xf: {  	s10 =	smul.u32 $0xD000, s12;
	_ =	swait.ge [sflag:s9], $0xD000  }
0x10: {  	[sflag:s9] =	ssyncset.done $0x0  }
0x11: {  	s11 =	simm.s32 $0x3;
	s10 =	sadd.s32 s14, s10;
	[sflag:s9] =	ssyncadd.s32 $0xFFFF3000  }
0x12: {  	[hbm4b:s10+s2] =	stream.linear.scatter [tilespmem:s7], [sflag:$0x3], $0xD000, $0x38;
	[tilespmem:$0x1D400] =	vst v63  }
0x13: {  	_ =	swait.ge [sflag:s11], $0xD000  }
0x14: {  	s13 =	simm.s32 $0x2;
	[sflag:s11] =	ssyncset.done $0x0  }
0x15: {  	s15 =	smul.u32 $0x68000, s12;
	s12 =	simm.s32 $0xD00;
	[sflag:s11] =	ssyncadd.s32 $0xFFFF3000  }
0x16: {  	[tilespmem:s7], [sflag:$0x1] =	stream.indirect.gather [hbm4b:s5+s6], $0x20, s12, s6, $0xb8;
	[tilespmem:$0x1D400] =	vst v63  }
0x17: {  	s15 =	sshrl.u32 s15, $0x3;
	_ =	swait.ge [sflag:s13], $0xD000  }
0x18: {  	s28 =	sadd.s32 s14, s15;
	[sflag:s13] =	ssyncset.done $0x0  }
0x19: {  	s14 =	simm.s32 $0x4;
	s15 =	sadd.s32 $0x1A00, s28;
	[sflag:s13] =	ssyncadd.s32 $0xFFFF3000  }
0x1a: {  	[hbm4b:s15+s2] =	stream.linear.scatter [tilespmem:s8], [sflag:$0x4], $0xD000, $0x38;
	[tilespmem:$0x1D400] =	vst v63  }
0x1b: {  	_ =	swait.ge [sflag:s14], $0xD000  }
0x1c: {  	[sflag:s14] =	ssyncset.done $0x0  }
0x1d: {  	s16 =	simm.s32 $0x1380;
	[sflag:s14] =	ssyncadd.s32 $0xFFFF3000  }
0x1e: {  	[tilespmem:s8], [sflag:$0x2] =	stream.indirect.gather [hbm4b:s5+s6], $0x20, s16, s6, $0xb8;
	[tilespmem:$0x1D400] =	vst v63  }
0x1f: {  	_ =	swait.ge [sflag:s9], $0xD000  }
0x20: {  	[sflag:s9] =	ssyncset.done $0x0  }
0x21: {  	s17 =	sadd.s32 $0x3400, s28;
	[sflag:s9] =	ssyncadd.s32 $0xFFFF3000  }
0x22: {  	[hbm4b:s17+s2] =	stream.linear.scatter [tilespmem:s7], [sflag:$0x3], $0xD000, $0x38;
	[tilespmem:$0x1D400] =	vst v63  }
0x23: {  	_ =	swait.ge [sflag:s11], $0xD000  }
0x24: {  	[sflag:s11] =	ssyncset.done $0x0  }
0x25: {  	s18 =	simm.s32 $0x1A00;
	[sflag:s11] =	ssyncadd.s32 $0xFFFF3000  }
0x26: {  	[tilespmem:s7], [sflag:$0x1] =	stream.indirect.gather [hbm4b:s5+s6], $0x20, s18, s6, $0xb8;
	[tilespmem:$0x1D400] =	vst v63  }
0x27: {  	_ =	swait.ge [sflag:s13], $0xD000  }
0x28: {  	[sflag:s13] =	ssyncset.done $0x0  }
0x29: {  	s19 =	sadd.s32 $0x4E00, s28;
	[sflag:s13] =	ssyncadd.s32 $0xFFFF3000  }
0x2a: {  	[hbm4b:s19+s2] =	stream.linear.scatter [tilespmem:s8], [sflag:$0x4], $0xD000, $0x38;
	[tilespmem:$0x1D400] =	vst v63  }
0x2b: {  	_ =	swait.ge [sflag:s14], $0xD000  }
0x2c: {  	[sflag:s14] =	ssyncset.done $0x0  }
0x2d: {  	s20 =	simm.s32 $0x2080;
	[sflag:s14] =	ssyncadd.s32 $0xFFFF3000  }
0x2e: {  	[tilespmem:s8], [sflag:$0x2] =	stream.indirect.gather [hbm4b:s5+s6], $0x20, s20, s6, $0xb8;
	[tilespmem:$0x1D400] =	vst v63  }
0x2f: {  	_ =	swait.ge [sflag:s9], $0xD000  }
0x30: {  	[sflag:s9] =	ssyncset.done $0x0  }
0x31: {  	s21 =	sadd.s32 $0x6800, s28;
	[sflag:s9] =	ssyncadd.s32 $0xFFFF3000  }
0x32: {  	[hbm4b:s21+s2] =	stream.linear.scatter [tilespmem:s7], [sflag:$0x3], $0xD000, $0x38;
	[tilespmem:$0x1D400] =	vst v63  }
0x33: {  	_ =	swait.ge [sflag:s11], $0xD000  }
0x34: {  	[sflag:s11] =	ssyncset.done $0x0  }
0x35: {  	s22 =	simm.s32 $0x2700;
	[sflag:s11] =	ssyncadd.s32 $0xFFFF3000  }
0x36: {  	[tilespmem:s7], [sflag:$0x1] =	stream.indirect.gather [hbm4b:s5+s6], $0x20, s22, s6, $0xb8;
	[tilespmem:$0x1D400] =	vst v63  }
0x37: {  	_ =	swait.ge [sflag:s13], $0xD000  }
0x38: {  	[sflag:s13] =	ssyncset.done $0x0  }
0x39: {  	s23 =	sadd.s32 $0x8200, s28;
	[sflag:s13] =	ssyncadd.s32 $0xFFFF3000  }
0x3a: {  	[hbm4b:s23+s2] =	stream.linear.scatter [tilespmem:s8], [sflag:$0x4], $0xD000, $0x38;
	[tilespmem:$0x1D400] =	vst v63  }
0x3b: {  	_ =	swait.ge [sflag:s14], $0xD000  }
0x3c: {  	[sflag:s14] =	ssyncset.done $0x0  }
0x3d: {  	s24 =	simm.s32 $0x2D80;
	[sflag:s14] =	ssyncadd.s32 $0xFFFF3000  }
0x3e: {  	[tilespmem:s8], [sflag:$0x2] =	stream.indirect.gather [hbm4b:s5+s6], $0x20, s24, s6, $0xb8;
	[tilespmem:$0x1D400] =	vst v63  }
0x3f: {  	_ =	swait.ge [sflag:s9], $0xD000  }
0x40: {  	s29 =	ssub.s32 $0x2, s26;
	s25 =	sadd.s32 $0x9C00, s28;
	[sflag:s9] =	ssyncset.done $0x0  }
0x41: {  	s26 =	sadd.s32 $0xB600, s28;
	s28 =	sshrl.u32 s29, $0x1;
	[sflag:s9] =	ssyncadd.s32 $0xFFFF3000  }
0x42: {  	[hbm4b:s25+s2] =	stream.linear.scatter [tilespmem:s7], [sflag:$0x3], $0xD000, $0x38;
	[tilespmem:$0x1D400] =	vst v63  }
0x43: {  	s28 =	ssub.s32 s29, s28;
	_ =	swait.ge [sflag:s13], $0xD000  }
0x44: {  	s28 =	smax.u32 s28, $0x1;
	[sflag:s13] =	ssyncset.done $0x0  }
0x45: {  	p0 =	sne.s32 s28, $0x1;
	[sflag:s13] =	ssyncadd.s32 $0xFFFF3000  }
0x46: {  	[hbm4b:s26+s2] =	stream.linear.scatter [tilespmem:s8], [sflag:$0x4], $0xD000, $0x38;
	[tilespmem:$0x1D400] =	vst v63  }
.Ltmp0:
0x47: {  	_ =	swait.ge [sflag:s11], $0xD000;
	(pc) =	sbr.rel @!p0 .LBB2_2-.Ltmp0, $4  }
0x48: {  	[sflag:s11] =	ssyncset.done $0x0  }
0x49: {  	[sflag:s11] =	ssyncadd.s32 $0xFFFF3000  }
0x4a: {  	_ =	swait.ge [sflag:s14], $0xD000  }
0x4b: {  	s28 =	sadd.s32 $0xFFFFFFFF, s28;
	[sflag:s14] =	ssyncset.done $0x0  }
.LBB2_1:
0x4c: {  	p0 =	sne.s32 s28, $0x1;
	s28 =	sadd.s32 $0xFFFFFFFF, s28;
	[sflag:s14] =	ssyncadd.s32 $0xFFFF3000  }
0x4d: {  	[tilespmem:s2], [sflag:$0x5] =	stream.linear.gather [hbm4b:s3+s2], $0x3400, $0x38;
	[tilespmem:$0x1D400] =	vst v63  }
0x4e: {  	_ =	swait.ge [sflag:s4], $0x3400  }
0x4f: {  	[sflag:s4] =	ssyncset.done $0x0  }
0x50: {  	[sflag:s4] =	ssyncadd.s32 $0xFFFFCC00  }
0x51: {  	[tilespmem:s7], [sflag:$0x1] =	stream.indirect.gather [hbm4b:s5+s6], $0x20, s2, s6, $0xb8;
	[tilespmem:$0x1D400] =	vst v63  }
0x52: {  	_ = 	snop  }
0x53: {  	[tilespmem:s8], [sflag:$0x2] =	stream.indirect.gather [hbm4b:s5+s6], $0x20, s6, s6, $0xb8;
	[tilespmem:$0x1D400] =	vst v63  }
0x54: {  	_ =	swait.ge [sflag:s9], $0xD000  }
0x55: {  	[sflag:s9] =	ssyncset.done $0x0  }
0x56: {  	[sflag:s9] =	ssyncadd.s32 $0xFFFF3000  }
0x57: {  	[hbm4b:s10+s2] =	stream.linear.scatter [tilespmem:s7], [sflag:$0x3], $0xD000, $0x38;
	[tilespmem:$0x1D400] =	vst v63  }
0x58: {  	_ =	swait.ge [sflag:s11], $0xD000  }
0x59: {  	[sflag:s11] =	ssyncset.done $0x0  }
0x5a: {  	[sflag:s11] =	ssyncadd.s32 $0xFFFF3000  }
0x5b: {  	[tilespmem:s7], [sflag:$0x1] =	stream.indirect.gather [hbm4b:s5+s6], $0x20, s12, s6, $0xb8;
	[tilespmem:$0x1D400] =	vst v63  }
0x5c: {  	_ =	swait.ge [sflag:s13], $0xD000  }
0x5d: {  	[sflag:s13] =	ssyncset.done $0x0  }
0x5e: {  	[sflag:s13] =	ssyncadd.s32 $0xFFFF3000  }
0x5f: {  	[hbm4b:s15+s2] =	stream.linear.scatter [tilespmem:s8], [sflag:$0x4], $0xD000, $0x38;
	[tilespmem:$0x1D400] =	vst v63  }
0x60: {  	_ =	swait.ge [sflag:s14], $0xD000  }
0x61: {  	[sflag:s14] =	ssyncset.done $0x0  }
0x62: {  	[sflag:s14] =	ssyncadd.s32 $0xFFFF3000  }
0x63: {  	[tilespmem:s8], [sflag:$0x2] =	stream.indirect.gather [hbm4b:s5+s6], $0x20, s16, s6, $0xb8;
	[tilespmem:$0x1D400] =	vst v63  }
0x64: {  	_ =	swait.ge [sflag:s9], $0xD000  }
0x65: {  	[sflag:s9] =	ssyncset.done $0x0  }
0x66: {  	[sflag:s9] =	ssyncadd.s32 $0xFFFF3000  }
0x67: {  	[hbm4b:s17+s2] =	stream.linear.scatter [tilespmem:s7], [sflag:$0x3], $0xD000, $0x38;
	[tilespmem:$0x1D400] =	vst v63  }
0x68: {  	_ =	swait.ge [sflag:s11], $0xD000  }
0x69: {  	[sflag:s11] =	ssyncset.done $0x0  }
0x6a: {  	[sflag:s11] =	ssyncadd.s32 $0xFFFF3000  }
0x6b: {  	[tilespmem:s7], [sflag:$0x1] =	stream.indirect.gather [hbm4b:s5+s6], $0x20, s18, s6, $0xb8;
	[tilespmem:$0x1D400] =	vst v63  }
0x6c: {  	_ =	swait.ge [sflag:s13], $0xD000  }
0x6d: {  	[sflag:s13] =	ssyncset.done $0x0  }
0x6e: {  	[sflag:s13] =	ssyncadd.s32 $0xFFFF3000  }
0x6f: {  	[hbm4b:s19+s2] =	stream.linear.scatter [tilespmem:s8], [sflag:$0x4], $0xD000, $0x38;
	[tilespmem:$0x1D400] =	vst v63  }
0x70: {  	_ =	swait.ge [sflag:s14], $0xD000  }
0x71: {  	[sflag:s14] =	ssyncset.done $0x0  }
0x72: {  	[sflag:s14] =	ssyncadd.s32 $0xFFFF3000  }
0x73: {  	[tilespmem:s8], [sflag:$0x2] =	stream.indirect.gather [hbm4b:s5+s6], $0x20, s20, s6, $0xb8;
	[tilespmem:$0x1D400] =	vst v63  }
0x74: {  	_ =	swait.ge [sflag:s9], $0xD000  }
0x75: {  	[sflag:s9] =	ssyncset.done $0x0  }
0x76: {  	[sflag:s9] =	ssyncadd.s32 $0xFFFF3000  }
0x77: {  	[hbm4b:s21+s2] =	stream.linear.scatter [tilespmem:s7], [sflag:$0x3], $0xD000, $0x38;
	[tilespmem:$0x1D400] =	vst v63  }
0x78: {  	_ =	swait.ge [sflag:s11], $0xD000  }
0x79: {  	[sflag:s11] =	ssyncset.done $0x0  }
0x7a: {  	[sflag:s11] =	ssyncadd.s32 $0xFFFF3000  }
0x7b: {  	[tilespmem:s7], [sflag:$0x1] =	stream.indirect.gather [hbm4b:s5+s6], $0x20, s22, s6, $0xb8;
	[tilespmem:$0x1D400] =	vst v63  }
0x7c: {  	_ =	swait.ge [sflag:s13], $0xD000  }
0x7d: {  	[sflag:s13] =	ssyncset.done $0x0  }
0x7e: {  	[sflag:s13] =	ssyncadd.s32 $0xFFFF3000  }
0x7f: {  	[hbm4b:s23+s2] =	stream.linear.scatter [tilespmem:s8], [sflag:$0x4], $0xD000, $0x38;
	[tilespmem:$0x1D400] =	vst v63  }
0x80: {  	_ =	swait.ge [sflag:s14], $0xD000  }
0x81: {  	[sflag:s14] =	ssyncset.done $0x0  }
0x82: {  	[sflag:s14] =	ssyncadd.s32 $0xFFFF3000  }
0x83: {  	[tilespmem:s8], [sflag:$0x2] =	stream.indirect.gather [hbm4b:s5+s6], $0x20, s24, s6, $0xb8;
	[tilespmem:$0x1D400] =	vst v63  }
0x84: {  	_ =	swait.ge [sflag:s9], $0xD000  }
0x85: {  	[sflag:s9] =	ssyncset.done $0x0  }
0x86: {  	[sflag:s9] =	ssyncadd.s32 $0xFFFF3000  }
0x87: {  	[hbm4b:s25+s2] =	stream.linear.scatter [tilespmem:s7], [sflag:$0x3], $0xD000, $0x38;
	[tilespmem:$0x1D400] =	vst v63  }
0x88: {  	_ =	swait.ge [sflag:s13], $0xD000  }
0x89: {  	[sflag:s13] =	ssyncset.done $0x0  }
0x8a: {  	[sflag:s13] =	ssyncadd.s32 $0xFFFF3000  }
0x8b: {  	[hbm4b:s26+s2] =	stream.linear.scatter [tilespmem:s8], [sflag:$0x4], $0xD000, $0x38;
	[tilespmem:$0x1D400] =	vst v63  }
.Ltmp1:
0x8c: {  	_ =	swait.ge [sflag:s11], $0xD000;
	(pc) =	sbr.rel @p0 .LBB2_1-.Ltmp1, $4  }
0x8d: {  	[sflag:s11] =	ssyncset.done $0x0  }
0x8e: {  	[sflag:s11] =	ssyncadd.s32 $0xFFFF3000  }
0x8f: {  	_ =	swait.ge [sflag:s14], $0xD000  }
0x90: {  	[sflag:s14] =	ssyncset.done $0x0  }
.LBB2_2:
0x91: {  	[sflag:s14] =	ssyncadd.s32 $0xFFFF3000  }
0x92: {  	_ =	sfence.sel $0x180000  }
0x93: {  	[bflag:$0x0] =	sbarrier.arrive $0xFFFF  }
0x94: {  	p0 =	sne.s32 s0, $0x0;
	_ =	strace $0x90000047  }
0x95: {  	s0 =	sadd.s32 @!p0 $0x100000, s1;
	[bflag:$0x2] =	sbarrier.arrive $0xFFFF  }
0x96: {  	[sflag:s0] =	ssyncadd.tile.s32 @!p0 $0x1;
	_ =	shalt  }
.Lfunc_end2:
_tile_overlayer_lowered:
.L_overlay_start_2:
0x97: {  	(tag) =	ssettag $0x2  }
0x98: {  	s0 =	rddreg [dreg:$0x0];
	s2 =	stileid.u32  }
0x99: {  	s1 =	rddreg [dreg:$0x1];
	p0 =	sne.s32 s2, $0x0  }
0x9a: {  	s3 =	rddreg [dreg:$0x2];
	[bflag:$0x3] =	sbarrier.arrive $0xFFFF;
	s2 =	simm.s32 @!p0 $0x1C05  }
0x9b: {  	[timem:s3], [sflag:s2] =	dma.local @!p0 [hbm:s0], s1  }
0x9c: {  	s0 =	simm.s32 @!p0 $0x5  }
0x9d: {  	_ =	swait.ge @!p0 [sflag:s0], s1  }
0x9e: {  	s1 =	ssub.s32 @!p0 $0x0, s1;
	[sflag:s0] =	ssyncset.done @!p0 $0x0  }
0x9f: {  	[sflag:s0] =	ssyncadd.s32 @!p0 s1  }
0xa0: {  	[bflag:$0x3] =	sbarrier.arrive $0xFFFF  }
0xa1: {  	_ =	shalt  }

// kernel: sparse-core-data-format-call.cloned.1.call-start
scs
called_computation_lowered:
.L_overlay_start_0:
0x0: {  	s2 =	sld [smem:$0x3FD9]  }
0x1: {  	s3 =	sld [smem:$0x3FFE];
	_ =	sdelay $0x1  }
0x2: {  	s1 =	srdreg.scid  }
0x3: {  	s0 =	sand.u32 $0x1, s1  }
0x4: {  	s18 =	sshll.u32 s0, $0xA;
	s2 =	sadd.s32 s3, s2  }
0x5: {  	s2 =	sadd.s32 s2, s18  }
0x6: {  	[smem:$0x3FC6] =	sst s2  }
0x7: {  	_ = 	snop  }
0x8: {  	s2 =	sld [smem:$0x3FD0];
	(tm) =	ssettm $0x1  }
0x9: {  	s19 =	sld [smem:$0x3FFB];
	_ =	sdelay $0x3  }
0xa: {  	_ =	strace s19  }
0xb: {  	s3 =	sld [smem:$0x3FFC];
	_ =	sdelay $0x3  }
0xc: {  	_ =	strace s3  }
0xd: {  	s3 =	sld [smem:$0x3FFD];
	_ =	sdelay $0x3  }
0xe: {  	_ =	strace s3  }
0xf: {  	_ =	strace $0x8FFFFFFF  }
0x10: {  	s20 =	sld [smem:$0x3FDB];
	_ =	sdelay $0x1  }
0x11: {  	s4 =	simm.s32 $_scs_section_size  }
0x12: {  	s5 =	simm.s32 $_size__tile_overlayer_lowered;
	s6 =	simm.s32 $_tile_overlayer_lowered  }
0x13: {  	s23 =	simm.s32 $0x1BFF;
	s22 =	sshll.u32 s6, $0x1;
	s3 =	sadd.s32 s4, s20  }
0x14: {  	s7 =	simm.s32 $0x0;
	s21 =	sshll.u32 s5, $0x1;
	s5 =	sadd.s32 s22, s3  }
0x15: {  	[timem:s7], [sflag:s23] =	dma.local [hbm:s5], s21  }
0x16: {  	_ =	swait.ge [sflag:s23], s21  }
0x17: {  	s4 =	ssub.s32 $0x0, s21;
	[sflag:s23] =	ssyncset.done $0x0  }
0x18: {  	[sflag:s23] =	ssyncadd.s32 s4;
	_ =	sdelay $0x1  }
0x19: {  	s24 =	simm.s32 $0x1B8B  }
0x1a: {  	_ =	swait.ge [sflag:s24], $0x1  }
0x1b: {  	[sflag:s24] =	ssyncset.done $0x0  }
0x1c: {  	s26 =	simm.s32 $0x1B8E;
	s25 =	sld [smem:$0x3FFE];
	[sflag:s24] =	ssyncadd.s32 $0xFFFFFFFF  }
0x1d: {  	s27 =	simm.s32 $execute0_lowered;
	[smem:$0x3FD2] =	sst s26  }
0x1e: {  	s5 =	sshll.u32 s27, $0x1;
	_ =	strace $0x80000049;
	[dreg:$0x1] =	wrdreg $0xFFFFFFFF  }
0x1f: {  	s28 =	simm.s32 $_size_execute0_lowered;
	s3 =	sadd.s32 s3, s5;
	[dreg:$0x0] =	wrdreg $0x0  }
0x20: {  	s5 =	sshll.u32 s28, $0x1;
	[dreg:$0x2] =	wrdreg s3  }
0x21: {  	[dreg:$0x3] =	wrdreg s5  }
0x22: {  	[dreg:$0x4] =	wrdreg $0xC0  }
0x23: {  	_ =	task [dreg:s7], $0x5FFFF  }
0x24: {  	[dreg:$0x1] =	wrdreg $0xFFFFFFFF  }
0x25: {  	[dreg:$0x0] =	wrdreg $0x60  }
0x26: {  	[dreg:$0x2] =	wrdreg s25  }
0x27: {  	[dreg:$0x3] =	wrdreg s2  }
0x28: {  	[dreg:$0x4] =	wrdreg $0x9  }
0x29: {  	_ =	task.clear_ibuf [dreg:s7], $0x5FFFF;
	_ =	strace $0x90000049  }
0x2a: {  	s29 =	simm.s32 $0x9;
	_ =	strace $0x8000004B  }
0x2b: {  	_ =	swait.ge [sflag:s29], $0x1  }
0x2c: {  	[sflag:s29] =	ssyncadd.s32 $0xFFFFFFFF  }
0x2d: {  	_ =	strace $0x9000004B  }
0x2e: {  	_ =	sfence  }
0x2f: {  	s30 =	sld [smem:$0x0];
	_ =	sdelay $0x2  }
0x30: {  	s31 =	sshll.u32 s1, $0xD;
	s1 =	sshrl.u32 s1, $0x2  }
0x31: {  	s3 =	sand.u32 $0x4000, s31;
	s1 =	sadd.s32 s1, s30  }
0x32: {  	s0 =	sor.u32 s3, s0;
	s1 =	sshll.u32 s1, $0x11  }
0x33: {  	s0 =	sor.u32 s1, s0  }
0x34: {  	s0 =	sadd.s32 $0x8F2B, s0  }
0x35: {  	[sflag:s0] =	ssyncadd.remote.s32 $0x1  }
0x36: {  	_ =	sfence.sel $0xFFFF  }
0x37: {  	[dreg:$0x0] =	wrdreg $0xFFFFFFFF;
	(pc) =	sbr.abs _section_cstart, $3  }
0x38: {  	[dreg:$0x1] =	wrdreg $0xFFFFFFFF  }
0x39: {  	_ =	task.clear_ibuf [dreg:s7], $0x2FFFF;
	_ =	strace $0x9FFFFFFF  }
0x3a: {  	(tm) =	ssettm $0x7FFFFFFF  }
0x3b: {  	_ =	shalt  }
tec
execute0_lowered:
.L_overlay_start_1:
0x0: {  	(tag) =	ssettag $0x1  }
0x1: {  	s0 =	srdreg.scid  }
0x2: {  	s1 =	sshll.u32 s0, $0x4  }
0x3: {  	s0 =	stileid.u32;
	s1 =	sand.u32 $0x10, s1  }
0x4: {  	s1 =	sor.u32 s0, s1  }
0x5: {  	s6 =	rddreg [dreg:$0x0];
	s4 =	simm.s32 $0x1;
	s2 =	sshll.u32 s1, $0x7  }
0x6: {  	s7 =	simm.s32 $0x2;
	s12 =	simm.s32 $0x0;
	s1 =	ssub.s32 $0x4000, s2  }
0x7: {  	s8 =	simm.s32 $0x20000;
	s13 =	simm.s32 $0x0;
	s3 =	sand.u32 $0xF80, s1  }
0x8: {  	s9 =	simm.s32 $0x0;
	s5 =	sshrl.u32 s1, $0xC;
	p0 =	sne.s32 s3, $0x0  }
.Ltmp0:
0x9: {  	s1 =	rddreg [dreg:$0x2];
	s4 =	simm.s32 @!p0 $0x0;
	(pc) =	sbr.rel .LBB1_1-.Ltmp0, $4  }
0xa: {  	s11 =	simm.s32 $0x0;
	s3 =	rddreg [dreg:$0x1];
	s5 =	sadd.s32 s4, s5  }
0xb: {  	_ =	strace $0x8000004A;
	s4 =	simm.s32 $0x1;
	s5 =	smul.u32 $0x1A, s5  }
0xc: {  	s6 =	sadd.s32 $0xA00, s6;
	s10 =	smov.u32 s2;
	[sflag:s4] =	ssyncpa.u1 $0x0  }
0xd: {  	p0 =	por $0x0, $0x0;
	[sflag:s7] =	ssyncpa.u1 $0x0;
	s7 =	sor.u32 $0x1, s5  }
.LBB1_4:
0xe: {  	s16 =	sshll.u32 s13, $0x3;
	s17 =	sand.u32 $0x78, s13  }
0xf: {  	s30 =	sand.u32 $0xF800, s13;
	s12 =	sshll.u32 s12, $0x10;
	s16 =	sand.u32 $0x3C00, s16  }
0x10: {  	s31 =	sand.u32 $0x7, s13;
	s16 =	sor.u32 s17, s16;
	s17 =	sadd.s32 s3, s30  }
0x11: {  	s13 =	sshll.u32 s31, $0x12;
	s16 =	sshrl.u32 s16, $0x3;
	s12 =	sadd.s32 s12, s17  }
0x12: {  	[tilespmem:s15+$0x0 ss:$0x81] =	vst.msk $0xffff, v0;
	s13 =	sor.u32 $0x400, s13;
	s12 =	sadd.s32 s16, s12  }
0x13: {  	[hbm4b:s12+s13] =	stream.strided.scatter [tilespmem:s14], [sflag:$0x2], $0x1000, s8, s13, $0x20;
	[tilespmem:$0x4040] =	vst v63  }
.LBB1_5:
0x14: {  	s14 =	sadd.s32 $0x1, s9  }
0x15: {  	s12 =	sadd.s32 $0x1000, s10;
	s16 =	smov.u32 s10;
	p2 =	sgt.s32 s14, $0x19  }
0x16: {  	s16 =	smov.u32 @p2 s12  }
0x17: {  	s14 =	simm.s32 @p2 $0x0;
	p2 =	sgt.s32 s16, $0x3FFF  }
0x18: {  	s16 =	smov.u32 @p2 s2;
	p2 =	sne.s32 s11, s7  }
.Ltmp1:
0x19: {  	p1 =	slt.u32 s11, $0x2;
	(pc) =	sbr.rel @!p2 .LBB1_6-.Ltmp1, $4  }
0x1a: {  	s15 =	simm.s32 @!p1 $0x2  }
0x1b: {  	s13 =	smov.u32 s10;
	p0 =	por !p0, !p0;
	_ =	swait.ge @!p1 [sflag:s15], $0x1000  }
0x1c: {  	s12 =	smov.u32 s9;
	[sflag:s15] =	ssyncset.done @!p1 $0x0;
	s9 =	smov.u32 s14  }
0x1d: {  	s11 =	sadd.s32 $0x1, s11;
	[sflag:s15] =	ssyncadd.s32 @!p1 $0xFFFFF000;
	s10 =	smov.u32 s16  }
.LBB1_1:
0x1e: {  	p1 =	sge.u32 s11, s5  }
0x1f: {  	s31 =	sadd.s32 $0xFFFFFFFF, s11;
	s14 =	sxor.u32 @!p1 $0xFFFFFFFF, s11  }
0x20: {  	s15 =	sshll.u32 @!p1 s10, $0x9;
	s16 =	sshll.u32 @!p1 s9, $0x4;
	s17 =	simm.s32 @!p1 $0x1000  }
0x21: {  	s14 =	sshll.u32 @!p1 s14, $0xC;
	s16 =	sand.u32 @!p1 $0x1F0, s16;
	s15 =	sadd.s32 @!p1 s6, s15  }
0x22: {  	s14 =	sand.u32 @!p1 $0x1000, s14;
	s15 =	sadd.s32 @!p1 s16, s15;
	s16 =	simm.s32 @!p1 $0x20  }
0x23: {  	[tilespmem:s14], [sflag:$0x1] =	stream.strided.gather @!p1 [hbm4b:s15+s16], $0x1000, s17, s16, $0x38;
	[tilespmem:$0x4040] =	vst v63  }
0x24: {  	p1 =	sge.u32 s31, s5  }
.Ltmp2:
0x25: {  	_ = 	snop;
	(pc) =	sbr.rel @p1 .LBB1_5-.Ltmp2, $1  }
0x26: {  	_ =	sdelay $0x3  }
0x27: {  	s14 =	simm.s32 $0x1  }
0x28: {  	_ =	swait.ge [sflag:s4], $0x1000;
	s14 =	simm.s32 @!p0 $0x0  }
0x29: {  	[sflag:s4] =	ssyncset.done $0x0;
	s15 =	sshll.u32 s14, $0xC  }
0x2a: {  	[sflag:s4] =	ssyncadd.s32 $0xFFFFF000;
	s18 =	sor.u32 $0x10, s15  }
0x2b: {  	s14 =	smul.u32 $0x4080, s14;
	v1 =	vld [tilespmem:s18+$0x0]  }
0x2c: {  	s30 =	sand.u32 $0x1, s11;
	v0 =	vld [tilespmem:s18+$0xFFFFFFF0]  }
0x2d: {  	s15 =	smul.u32 $0x4080, s30;
	s14 =	sshrl.u32 s14, $0x2  }
0x2e: {  	s16 =	sor.u32 $0x2000, s14  }
0x2f: {  	s31 =	sshrl.u32 s15, $0x2;
	s15 =	sadd.s32 $0x0, s16  }
0x30: {  	s17 =	simm.s32 $0x4;
	s18 =	sadd.s32 $0x20, s18;
	s14 =	sor.u32 $0x2000, s31;
	[tilespmem:s15+$0x810 ss:$0x81] =	vst.msk $0xffff, v1  }
.LBB1_3:
0x31: {  	v1 =	vld [tilespmem:s18+$0x0];
	p1 =	sne.s32 s17, $0x1FC;
	[tilespmem:s15+$0x0 ss:$0x81] =	vst.msk $0xffff, v0;
	s15 =	smov.u32 s17;
	s17 =	sadd.s32 $0x4, s17  }
.Ltmp3:
0x32: {  	v0 =	vld [tilespmem:s18+$0xFFFFFFF0];
	(pc) =	sbr.rel @p1 .LBB1_3-.Ltmp3, $4  }
0x33: {  	_ = 	snop  }
0x34: {  	s15 =	sshra.s32 s15, $0x2  }
0x35: {  	s15 =	sadd.s32 s15, s16  }
0x36: {  	s18 =	sadd.s32 $0x20, s18;
	[tilespmem:s15+$0x810 ss:$0x81] =	vst.msk $0xffff, v1  }
.Ltmp4:
0x37: {  	_ = 	snop;
	(pc) =	sbr.rel .LBB1_4-.Ltmp4, $1  }
0x38: {  	_ =	sdelay $0x3  }
.LBB1_6:
0x39: {  	_ =	sfence.sel $0x180000  }
0x3a: {  	s2 =	simm.s32 $0x1;
	[bflag:$0x0] =	sbarrier.arrive $0xFFFF  }
0x3b: {  	s31 =	simm.s32 $0x2;
	[sflag:s2] =	ssyncpa.u1 $0x1  }
0x3c: {  	[sflag:s31] =	ssyncpa.u1 $0x1  }
0x3d: {  	p0 =	sne.s32 s0, $0x0;
	_ =	strace $0x9000004A  }
0x3e: {  	s0 =	sadd.s32 @!p0 $0x100000, s1;
	[bflag:$0x2] =	sbarrier.arrive $0xFFFF  }
0x3f: {  	[sflag:s0] =	ssyncadd.tile.s32 @!p0 $0x1;
	_ =	shalt  }
.Lfunc_end1:
_tile_overlayer_lowered:
.L_overlay_start_2:
0x40: {  	(tag) =	ssettag $0x2  }
0x41: {  	s0 =	rddreg [dreg:$0x0];
	s2 =	stileid.u32  }
0x42: {  	s1 =	rddreg [dreg:$0x1];
	p0 =	sne.s32 s2, $0x0  }
0x43: {  	s3 =	rddreg [dreg:$0x2];
	[bflag:$0x3] =	sbarrier.arrive $0xFFFF;
	s2 =	simm.s32 @!p0 $0x1C01  }
0x44: {  	[timem:s3], [sflag:s2] =	dma.local @!p0 [hbm:s0], s1  }
0x45: {  	s0 =	simm.s32 @!p0 $0x1  }
0x46: {  	_ =	swait.ge @!p0 [sflag:s0], s1  }
0x47: {  	s1 =	ssub.s32 @!p0 $0x0, s1;
	[sflag:s0] =	ssyncset.done @!p0 $0x0  }
0x48: {  	[sflag:s0] =	ssyncadd.s32 @!p0 s1  }
0x49: {  	[bflag:$0x3] =	sbarrier.arrive $0xFFFF  }
0x4a: {  	_ =	shalt  }

</sc_bundles>
